<compile_context>
chip_gen: v7x
topology: tpu7x:2x2x1
jax: 0.10.2.dev20260603
libtpu: 0.0.44.dev20260713+nightly
codegen_flags: <defaults>
</compile_context>

<pallas_src>
import functools

import jax
import jax.numpy as jnp
from jax import lax
from jax.experimental import pallas as pl
from jax.experimental.pallas import tpu as pltpu
from jax.experimental.pallas import tpu_sc as plsc

_B, _T, _C = 4, 8192, 1024
_TCB = _B - 1
_TB = 512

_NW = 32
_ROWS_PER_W = _T // _NW
_CHUNK = 16
_NCHUNK = _ROWS_PER_W // _CHUNK

_mesh = plsc.VectorSubcoreMesh(core_axis_name="c", subcore_axis_name="s")


def _tc_body(x_ref, pe_ref, o_ref):
    o_ref[...] = x_ref[...] + pe_ref[...][None, :, :]


@functools.partial(
    pl.kernel,
    mesh=_mesh,
    out_type=jax.ShapeDtypeStruct((_T, _C), jnp.float32),
    scratch_types=[
        pltpu.VMEM((_CHUNK, _C), jnp.float32),
        pltpu.VMEM((_CHUNK, _C), jnp.float32),
    ],
    compiler_params=pltpu.CompilerParams(use_tc_tiling_on_sc=True),
)
def _sc_add_b3(x_hbm, pe_hbm, out_hbm, xbuf, pebuf):
    wid = lax.axis_index("s") * 2 + lax.axis_index("c")
    row0 = wid * _ROWS_PER_W

    def chunk_body(j, carry):
        r = row0 + j * _CHUNK
        pltpu.sync_copy(x_hbm.at[_B - 1, pl.ds(r, _CHUNK)], xbuf)
        pltpu.sync_copy(pe_hbm.at[pl.ds(r, _CHUNK)], pebuf)

        @plsc.parallel_loop(0, _CHUNK * _C, 16, unroll=8)
        def _(i):
            row = i // _C
            col = i % _C
            xbuf[row, pl.ds(col, 16)] = (
                xbuf[row, pl.ds(col, 16)] + pebuf[row, pl.ds(col, 16)]
            )

        pltpu.sync_copy(xbuf, out_hbm.at[pl.ds(r, _CHUNK)])
        return carry

    lax.fori_loop(0, _NCHUNK, chunk_body, 0)


def kernel(x, pos_emb):
    B, T, C = x.shape
    out3 = _sc_add_b3(x, pos_emb)
    out012 = pl.pallas_call(
        _tc_body,
        grid=(T // _TB,),
        in_specs=[
            pl.BlockSpec((_TCB, _TB, C), lambda i: (0, i, 0)),
            pl.BlockSpec((_TB, C), lambda i: (i, 0)),
        ],
        out_specs=pl.BlockSpec((_TCB, _TB, C), lambda i: (0, i, 0)),
        out_shape=jax.ShapeDtypeStruct((_TCB, T, C), x.dtype),
        compiler_params=pltpu.CompilerParams(
            dimension_semantics=("arbitrary",),
        ),
    )(x, pos_emb)
    return jnp.concatenate([out012, out3[None]], axis=0)

# --- scband reference (transcript-rebuilt; emitter-appended) ---
"""Pipeline reference for scband-positional-encoding-1168231104652 (READ-ONLY COPY).

The authoritative reference and input builder live on the scoring server;
editing this copy changes nothing except your own understanding.
"""

import jax, jax.numpy as jnp
import numpy as np


def setup_inputs(seed: int = 0) -> dict:
    key = jax.random.key(seed)
    k1, k2 = jax.random.split(key)
    x = jax.random.normal(k1, (4, 8192, 1024), dtype=jnp.float32)
    # learned positional embedding table sized per init_kwargs:
    # (max_position_embeddings=8192, hidden_dim=1024)
    pos_emb = jax.random.normal(k2, (8192, 1024), dtype=jnp.float32) * 0.02
    return {"x": x, "pos_emb": pos_emb}


def reference(x, pos_emb):
    # Faithful translation of PositionalEncoding.forward (dropout p=0.0 -> identity)
    seq_length = x.shape[1]
    position_ids = jnp.arange(seq_length, dtype=jnp.int32)  # position_ids[:, :seq_length]
    pe = jnp.take(pos_emb, position_ids, axis=0)  # embedding lookup -> (T, C)
    out = x + pe[None, :, :]  # broadcast over batch, matching (1, T, C) position_ids expand
    return out

if __name__ == "__main__":
    import jax
    _d = setup_inputs()
    print(jax.jit(kernel)(*tuple(_d.values())))

</pallas_src>

<mosaic_0001>
#map = affine_map<(d0, d1) -> (0, 0, 0)>
#map1 = affine_map<(d0, d1) -> (0, 0)>
module attributes {stable_mosaic.version = 14 : i64} {
  func.func @_sc_add_b3(%arg0: i32, %arg1: i32, %arg2: memref<4x8192x1024xf32, #tpu.memory_space<hbm>>, %arg3: memref<8192x1024xf32, #tpu.memory_space<hbm>>, %arg4: memref<8192x1024xf32, #tpu.memory_space<hbm>>, %arg5: memref<16x1024xf32, #tpu.memory_space<vmem>>, %arg6: memref<16x1024xf32, #tpu.memory_space<vmem>>) attributes {dimension_semantics = [#tpu.dimension_semantics<core_parallel>, #tpu.dimension_semantics<subcore_parallel>], iteration_bounds = array<i64: 2, 16>, scalar_prefetch = 0 : i64, scratch_operands = 2 : i64, tpu.core_type = #tpu.core_type<sc_vector_subcore>, window_params = [{transform_indices = #map}, {transform_indices = #map1}, {transform_indices = #map1}]} {
    %mul3A = arith.constant 2 : i32
    %mul3A_0 = arith.muli %arg1, %mul3A : i32
    %add3A = arith.addi %mul3A_0, %arg0 : i32
    %mul3A_1 = arith.constant 256 : i32
    %mul3A_2 = arith.muli %add3A, %mul3A_1 : i32
    %scan3A = arith.constant 0 : i32
    %scan3A_3 = arith.constant 0 : i32
    %scan3A_4 = arith.constant 16 : i32
    %scan3A_5 = arith.addi %scan3A_3, %scan3A_4 : i32
    %scan3A_6 = arith.constant 1 : i32
    scf.for %scan3A_8 = %scan3A_3 to %scan3A_5 step %scan3A_6  : i32 {
      %mul3A_9 = arith.constant 16 : i32
      %mul3A_10 = arith.muli %scan3A_8, %mul3A_9 : i32
      %add3A_11 = arith.addi %mul3A_2, %mul3A_10 : i32
      %run_scoped3A = arith.constant 3 : i32
      "tpu.region"() ({
        %run_scoped3A_14 = tpu.sem_alloc : memref<!tpu.dma_semaphore, #tpu.memory_space<semaphore_mem>>
        %dma_start3A = arith.constant 0 : i32
        %dma_start3A_15 = tpu.memref_slice %arg2[%run_scoped3A, %add3A_11, %dma_start3A] : memref<4x8192x1024xf32, #tpu.memory_space<hbm>> -> memref<1x16x1024xf32, #tpu.memory_space<hbm>>
        %dma_start3A_16 = tpu.memref_squeeze %dma_start3A_15 : memref<1x16x1024xf32, #tpu.memory_space<hbm>> -> memref<16x1024xf32, #tpu.memory_space<hbm>>
        %dma_start3A_17 = arith.constant 0 : i32
        %dma_start3A_18 = tpu.memref_slice %arg2[%run_scoped3A, %add3A_11, %dma_start3A_17] : memref<4x8192x1024xf32, #tpu.memory_space<hbm>> -> memref<1x16x1024xf32, #tpu.memory_space<hbm>>
        %dma_start3A_19 = tpu.memref_squeeze %dma_start3A_18 : memref<1x16x1024xf32, #tpu.memory_space<hbm>> -> memref<16x1024xf32, #tpu.memory_space<hbm>>
        tpu.enqueue_dma source(%dma_start3A_19 : memref<16x1024xf32, #tpu.memory_space<hbm>>) target(%arg5 : memref<16x1024xf32, #tpu.memory_space<vmem>>) target_semaphore(%run_scoped3A_14 : memref<!tpu.dma_semaphore, #tpu.memory_space<semaphore_mem>>)
        %dma_wait3A = arith.constant 0 : i32
        %dma_wait3A_20 = tpu.memref_slice %arg2[%run_scoped3A, %add3A_11, %dma_wait3A] : memref<4x8192x1024xf32, #tpu.memory_space<hbm>> -> memref<1x16x1024xf32, #tpu.memory_space<hbm>>
        %dma_wait3A_21 = tpu.memref_squeeze %dma_wait3A_20 : memref<1x16x1024xf32, #tpu.memory_space<hbm>> -> memref<16x1024xf32, #tpu.memory_space<hbm>>
        %dma_wait3A_22 = arith.constant 0 : i32
        %dma_wait3A_23 = tpu.memref_slice %arg2[%run_scoped3A, %add3A_11, %dma_wait3A_22] : memref<4x8192x1024xf32, #tpu.memory_space<hbm>> -> memref<1x16x1024xf32, #tpu.memory_space<hbm>>
        %dma_wait3A_24 = tpu.memref_squeeze %dma_wait3A_23 : memref<1x16x1024xf32, #tpu.memory_space<hbm>> -> memref<16x1024xf32, #tpu.memory_space<hbm>>
        tpu.wait_dma2 semaphore(%run_scoped3A_14 : memref<!tpu.dma_semaphore, #tpu.memory_space<semaphore_mem>>) src(%dma_wait3A_24 : memref<16x1024xf32, #tpu.memory_space<hbm>>) dst(%arg5 : memref<16x1024xf32, #tpu.memory_space<vmem>>)
        tpu.yield
      }) : () -> ()
      "tpu.region"() ({
        %run_scoped3A_14 = tpu.sem_alloc : memref<!tpu.dma_semaphore, #tpu.memory_space<semaphore_mem>>
        %dma_start3A = arith.constant 0 : i32
        %dma_start3A_15 = tpu.memref_slice %arg3[%add3A_11, %dma_start3A] : memref<8192x1024xf32, #tpu.memory_space<hbm>> -> memref<16x1024xf32, #tpu.memory_space<hbm>>
        %dma_start3A_16 = arith.constant 0 : i32
        %dma_start3A_17 = tpu.memref_slice %arg3[%add3A_11, %dma_start3A_16] : memref<8192x1024xf32, #tpu.memory_space<hbm>> -> memref<16x1024xf32, #tpu.memory_space<hbm>>
        tpu.enqueue_dma source(%dma_start3A_17 : memref<16x1024xf32, #tpu.memory_space<hbm>>) target(%arg6 : memref<16x1024xf32, #tpu.memory_space<vmem>>) target_semaphore(%run_scoped3A_14 : memref<!tpu.dma_semaphore, #tpu.memory_space<semaphore_mem>>)
        %dma_wait3A = arith.constant 0 : i32
        %dma_wait3A_18 = tpu.memref_slice %arg3[%add3A_11, %dma_wait3A] : memref<8192x1024xf32, #tpu.memory_space<hbm>> -> memref<16x1024xf32, #tpu.memory_space<hbm>>
        %dma_wait3A_19 = arith.constant 0 : i32
        %dma_wait3A_20 = tpu.memref_slice %arg3[%add3A_11, %dma_wait3A_19] : memref<8192x1024xf32, #tpu.memory_space<hbm>> -> memref<16x1024xf32, #tpu.memory_space<hbm>>
        tpu.wait_dma2 semaphore(%run_scoped3A_14 : memref<!tpu.dma_semaphore, #tpu.memory_space<semaphore_mem>>) src(%dma_wait3A_20 : memref<16x1024xf32, #tpu.memory_space<hbm>>) dst(%arg6 : memref<16x1024xf32, #tpu.memory_space<vmem>>)
        tpu.yield
      }) : () -> ()
      %parallel_loop3A = arith.constant 0 : i32
      %parallel_loop3A_12 = arith.constant 16384 : i32
      %parallel_loop3A_13 = arith.constant 16 : i32
      scf.for %parallel_loop3A_14 = %parallel_loop3A to %parallel_loop3A_12 step %parallel_loop3A_13  : i32 {
        %parallel_loop3A_15 = arith.constant 1024 : i32
        %parallel_loop3A_16 = arith.divsi %parallel_loop3A_14, %parallel_loop3A_15 : i32
        %parallel_loop3A_17 = arith.constant 0 : i32
        %parallel_loop3A_18 = arith.cmpi sgt, %parallel_loop3A_14, %parallel_loop3A_17 : i32
        %parallel_loop3A_19 = arith.extui %parallel_loop3A_18 : i1 to i32
        %parallel_loop3A_20 = arith.constant 0 : i32
        %parallel_loop3A_21 = arith.cmpi slt, %parallel_loop3A_14, %parallel_loop3A_20 : i32
        %parallel_loop3A_22 = arith.extui %parallel_loop3A_21 : i1 to i32
        %parallel_loop3A_23 = arith.subi %parallel_loop3A_19, %parallel_loop3A_22 : i32
        %parallel_loop3A_24 = arith.constant 0 : i32
        %parallel_loop3A_25 = arith.cmpi sgt, %parallel_loop3A_15, %parallel_loop3A_24 : i32
        %parallel_loop3A_26 = arith.extui %parallel_loop3A_25 : i1 to i32
        %parallel_loop3A_27 = arith.constant 0 : i32
        %parallel_loop3A_28 = arith.cmpi slt, %parallel_loop3A_15, %parallel_loop3A_27 : i32
        %parallel_loop3A_29 = arith.extui %parallel_loop3A_28 : i1 to i32
        %parallel_loop3A_30 = arith.subi %parallel_loop3A_26, %parallel_loop3A_29 : i32
        %parallel_loop3A_31 = arith.cmpi ne, %parallel_loop3A_23, %parallel_loop3A_30 : i32
        %parallel_loop3A_32 = arith.remsi %parallel_loop3A_14, %parallel_loop3A_15 : i32
        %parallel_loop3A_33 = arith.constant 0 : i32
        %parallel_loop3A_34 = arith.cmpi ne, %parallel_loop3A_32, %parallel_loop3A_33 : i32
        %parallel_loop3A_35 = arith.andi %parallel_loop3A_31, %parallel_loop3A_34 : i1
        %parallel_loop3A_36 = arith.constant 1 : i32
        %parallel_loop3A_37 = arith.subi %parallel_loop3A_16, %parallel_loop3A_36 : i32
        %parallel_loop3A_38 = arith.select %parallel_loop3A_35, %parallel_loop3A_37, %parallel_loop3A_16 : i32
        %parallel_loop3A_39 = arith.constant 1024 : i32
        %parallel_loop3A_40 = arith.constant 0 : i32
        %parallel_loop3A_41 = arith.cmpi eq, %parallel_loop3A_39, %parallel_loop3A_40 : i32
        %parallel_loop3A_42 = arith.constant 1 : i32
        %parallel_loop3A_43 = arith.select %parallel_loop3A_41, %parallel_loop3A_42, %parallel_loop3A_39 : i32
        %parallel_loop3A_44 = arith.remsi %parallel_loop3A_14, %parallel_loop3A_43 : i32
        %parallel_loop3A_45 = arith.constant 0 : i32
        %parallel_loop3A_46 = arith.cmpi ne, %parallel_loop3A_44, %parallel_loop3A_45 : i32
        %parallel_loop3A_47 = arith.constant 0 : i32
        %parallel_loop3A_48 = arith.cmpi slt, %parallel_loop3A_44, %parallel_loop3A_47 : i32
        %parallel_loop3A_49 = arith.constant 0 : i32
        %parallel_loop3A_50 = arith.cmpi slt, %parallel_loop3A_43, %parallel_loop3A_49 : i32
        %parallel_loop3A_51 = arith.xori %parallel_loop3A_48, %parallel_loop3A_50 : i1
        %parallel_loop3A_52 = arith.andi %parallel_loop3A_51, %parallel_loop3A_46 : i1
        %parallel_loop3A_53 = arith.addi %parallel_loop3A_44, %parallel_loop3A_43 : i32
        %parallel_loop3A_54 = arith.select %parallel_loop3A_52, %parallel_loop3A_53, %parallel_loop3A_44 : i32
        %parallel_loop3A_55 = arith.index_cast %parallel_loop3A_38 : i32 to index
        %parallel_loop3A_56 = arith.index_cast %parallel_loop3A_54 : i32 to index
        %parallel_loop3A_57 = tpu.vector_load %arg5[%parallel_loop3A_55, %parallel_loop3A_56] {strides = array<i32>} : memref<16x1024xf32, #tpu.memory_space<vmem>>, vector<1x16xf32>,
        %parallel_loop3A_58 = vector.shape_cast %parallel_loop3A_57 : vector<1x16xf32> to vector<16xf32>
        %parallel_loop3A_59 = arith.index_cast %parallel_loop3A_38 : i32 to index
        %parallel_loop3A_60 = arith.index_cast %parallel_loop3A_54 : i32 to index
        %parallel_loop3A_61 = tpu.vector_load %arg6[%parallel_loop3A_59, %parallel_loop3A_60] {strides = array<i32>} : memref<16x1024xf32, #tpu.memory_space<vmem>>, vector<1x16xf32>,
        %parallel_loop3A_62 = vector.shape_cast %parallel_loop3A_61 : vector<1x16xf32> to vector<16xf32>
        %parallel_loop3A_63 = arith.addf %parallel_loop3A_58, %parallel_loop3A_62 : vector<16xf32>
        %parallel_loop3A_64 = arith.index_cast %parallel_loop3A_38 : i32 to index
        %parallel_loop3A_65 = arith.index_cast %parallel_loop3A_54 : i32 to index
        %parallel_loop3A_66 = tpu.vector_load %arg5[%parallel_loop3A_64, %parallel_loop3A_65] {strides = array<i32>} : memref<16x1024xf32, #tpu.memory_space<vmem>>, vector<1x16xf32>,
        %parallel_loop3A_67 = vector.shape_cast %parallel_loop3A_66 : vector<1x16xf32> to vector<16xf32>
        %parallel_loop3A_68 = vector.shape_cast %parallel_loop3A_63 : vector<16xf32> to vector<1x16xf32>
        tpu.vector_store %arg5[%parallel_loop3A_64, %parallel_loop3A_65], %parallel_loop3A_68 {strides = array<i32>} : memref<16x1024xf32, #tpu.memory_space<vmem>>, vector<1x16xf32>,
      } {sc.loop_unroll_factor = 8 : i64, sc.parallel_access}
      "tpu.region"() ({
        %run_scoped3A_14 = tpu.sem_alloc : memref<!tpu.dma_semaphore, #tpu.memory_space<semaphore_mem>>
        %dma_start3A = arith.constant 0 : i32
        %dma_start3A_15 = tpu.memref_slice %arg4[%add3A_11, %dma_start3A] : memref<8192x1024xf32, #tpu.memory_space<hbm>> -> memref<16x1024xf32, #tpu.memory_space<hbm>>
        %dma_start3A_16 = arith.constant 0 : i32
        %dma_start3A_17 = tpu.memref_slice %arg4[%add3A_11, %dma_start3A_16] : memref<8192x1024xf32, #tpu.memory_space<hbm>> -> memref<16x1024xf32, #tpu.memory_space<hbm>>
        tpu.enqueue_dma source(%arg5 : memref<16x1024xf32, #tpu.memory_space<vmem>>) target(%dma_start3A_17 : memref<16x1024xf32, #tpu.memory_space<hbm>>) target_semaphore(%run_scoped3A_14 : memref<!tpu.dma_semaphore, #tpu.memory_space<semaphore_mem>>)
        %dma_wait3A = arith.constant 0 : i32
        %dma_wait3A_18 = tpu.memref_slice %arg4[%add3A_11, %dma_wait3A] : memref<8192x1024xf32, #tpu.memory_space<hbm>> -> memref<16x1024xf32, #tpu.memory_space<hbm>>
        %dma_wait3A_19 = arith.constant 0 : i32
        %dma_wait3A_20 = tpu.memref_slice %arg4[%add3A_11, %dma_wait3A_19] : memref<8192x1024xf32, #tpu.memory_space<hbm>> -> memref<16x1024xf32, #tpu.memory_space<hbm>>
        tpu.wait_dma2 semaphore(%run_scoped3A_14 : memref<!tpu.dma_semaphore, #tpu.memory_space<semaphore_mem>>) src(%arg5 : memref<16x1024xf32, #tpu.memory_space<vmem>>) dst(%dma_wait3A_20 : memref<16x1024xf32, #tpu.memory_space<hbm>>)
        tpu.yield
      }) : () -> ()
    }
    %scan3A_7 = arith.constant 16 : i32
    return
  }
}

module attributes {stable_mosaic.version = 14 : i64} {
  func.func @_tc_body(%arg0: i32, %arg1: memref<3x512x1024xf32, #tpu.memory_space<vmem>>, %arg2: memref<512x1024xf32, #tpu.memory_space<vmem>>, %arg3: memref<3x512x1024xf32, #tpu.memory_space<vmem>>) attributes {dimension_semantics = [#tpu.dimension_semantics<arbitrary>], iteration_bounds = array<i64: 16>, scalar_prefetch = 0 : i64, scratch_operands = 0 : i64, tpu.core_type = #tpu.core_type<tc>, window_params = [{transform_indices = @transform_0, window_bounds = array<i64: 3, 512, 1024>}, {transform_indices = @transform_1, window_bounds = array<i64: 512, 1024>}, {transform_indices = @transform_2, window_bounds = array<i64: 3, 512, 1024>}]} {
    %get3A = arith.constant 0 : index
    %get3A_0 = arith.constant 0 : index
    %get3A_1 = arith.constant 0 : index
    %get3A_2 = vector.load %arg1[%get3A, %get3A_0, %get3A_1] : memref<3x512x1024xf32, #tpu.memory_space<vmem>>, vector<3x512x1024xf32>
    %get3A_3 = arith.constant 0 : index
    %get3A_4 = arith.constant 0 : index
    %get3A_5 = vector.load %arg2[%get3A_3, %get3A_4] : memref<512x1024xf32, #tpu.memory_space<vmem>>, vector<512x1024xf32>
    %broadcast_in_dim3A = vector.shape_cast %get3A_5 : vector<512x1024xf32> to vector<1x512x1024xf32>
    %add3A = vector.broadcast %broadcast_in_dim3A : vector<1x512x1024xf32> to vector<3x512x1024xf32>
    %add3A_6 = arith.addf %get3A_2, %add3A : vector<3x512x1024xf32>
    %swap3A = arith.constant 0 : index
    %swap3A_7 = arith.constant 0 : index
    %swap3A_8 = arith.constant 0 : index
    %swap3A_9 = vector.load %arg3[%swap3A, %swap3A_7, %swap3A_8] : memref<3x512x1024xf32, #tpu.memory_space<vmem>>, vector<3x512x1024xf32>
    tpu.vector_store %arg3[%swap3A, %swap3A_7, %swap3A_8], %add3A_6 {strides = array<i32>} : memref<3x512x1024xf32, #tpu.memory_space<vmem>>, vector<3x512x1024xf32>,
    return
  }
  func.func @transform_0(%arg0: i32) -> (i32, i32, i32) {
    %c0_i32 = arith.constant 0 : i32
    %c0_i32_0 = arith.constant 0 : i32
    %c0_i32_1 = arith.constant 0 : i32
    return %c0_i32, %arg0, %c0_i32_0 : i32, i32, i32
  }
  func.func @transform_1(%arg0: i32) -> (i32, i32) {
    %c0_i32 = arith.constant 0 : i32
    %c0_i32_0 = arith.constant 0 : i32
    return %arg0, %c0_i32 : i32, i32
  }
  func.func @transform_2(%arg0: i32) -> (i32, i32, i32) {
    %c0_i32 = arith.constant 0 : i32
    %c0_i32_0 = arith.constant 0 : i32
    %c0_i32_1 = arith.constant 0 : i32
    return %c0_i32, %arg0, %c0_i32_0 : i32, i32, i32
  }
}

</mosaic_0001>

<sc_bundles>
// kernel: kernel.4.cloned.1.call-start
scs
__scs_entry_jumppad:
0x0: {  	(pc) =	sbr.rel $0x88, $3  }
0x1: {  	(tag) =	ssettag $0x0;
	lr =	simm.s32 $0x1  }
0x2: {  	[smem:$0x3F9F] =	sst lr;
	_ =	strace $0xD0000000  }
0x3: {  	_ = 	snop  }
0x4: {  	_ = 	snop  }
0x5: {  	_ = 	snop  }
0x6: {  	_ = 	snop  }
0x7: {  	_ = 	snop  }
__scs_overlays_trampoline_lowered:
0x8: {  	[smem:$0x3FAE] =	sst s0  }
0x9: {  	[smem:$0x3FAF] =	sst s1  }
0xa: {  	[smem:$0x3FB0] =	sst s2  }
0xb: {  	[smem:$0x3FB1] =	sst s3  }
0xc: {  	[smem:$0x3FB2] =	sst s4  }
0xd: {  	[smem:$0x3FB3] =	sst s5  }
0xe: {  	[smem:$0x3FB4] =	sst s6  }
0xf: {  	[smem:$0x3FB5] =	sst s7  }
0x10: {  	[smem:$0x3FB6] =	sst s8  }
0x11: {  	[smem:$0x3FB7] =	sst s9;
	s0 =	simm.s32 @!p0 $0x0  }
0x12: {  	s1 =	sld [smem:$0x3F9D];
	s0 =	simm.s32 @p0 $0x1  }
0x13: {  	[smem:$0x3FB8] =	sst s0;
	s0 =	simm.s32 @!p1 $0x0  }
0x14: {  	s2 =	sld [smem:$0x3F9C];
	s0 =	simm.s32 @p1 $0x1  }
0x15: {  	[smem:$0x3FB9] =	sst s0;
	s0 =	simm.s32 @!p2 $0x0  }
0x16: {  	s3 =	sld [smem:$0x3FDB];
	s0 =	simm.s32 @p2 $0x1  }
0x17: {  	s4 =	simm.s32 $0x1BF5;
	[smem:$0x3FBB] =	sst s0  }
0x18: {  	s0 =	sld [smem:$0x3F9E];
	_ =	swait.ge [sflag:s4], $0x0  }
0x19: {  	s7 =	sld [smem:$0x3F9F]  }
0x1a: {  	s8 =	sadd.s32 $0xFFFFE003, lr  }
0x1b: {  	s9 =	sadd.s32 $0xFFFFFEF7, lr;
	s5 =	simm.s32 $0xFFFFFFFF;
	p2 =	slt.u32 s8, $0xFFFFF086  }
0x1c: {  	p1 =	slt.u32 s9, $0xF7A;
	s5 =	simm.s32 @!p2 $0x0  }
0x1d: {  	s5 =	simm.s32 @p1 $0x1;
	p0 =	seq.s32 s7, s2  }
0x1e: {  	s7 =	smul.u32 @!p0 $0xF7A, s2;
	p2 =	seq.s32 @!p0 s5, $0x0  }
0x1f: {  	s9 =	smul.u32 $0xF7A, s1;
	s8 =	simm.s32 @!p0 $0x1BF5;
	p2 =	por !p2, p0  }
0x20: {  	[sflag:s8] =	ssyncset.s32 @!p0 $0xFFFFF086;
	s6 =	sadd.s32 @!p0 s3, s7;
	s7 =	simm.s32 @!p0 $0x108  }
0x21: {  	s3 =	sadd.s32 s3, s9;
	s6 =	sadd.s32 @!p0 $0x88, s6;
	s7 =	simm.s32 @p2 $0x1082  }
0x22: {  	[simem:s7], [sflag:s8] =	dma.local @!p0 [hbm:s6], $0xF7A  }
0x23: {  	s9 =	sor.u32 $0xD0000000, s2;
	s6 =	simm.s32 $0x108;
	_ =	swait.ge @!p0 [sflag:s8], $0x0  }
0x24: {  	s3 =	sadd.s32 $0x88, s3;
	s6 =	simm.s32 @!p1 $0x1082;
	[sflag:s4] =	ssyncset.s32 $0xFFFFF086  }
0x25: {  	[simem:s6], [sflag:s4] =	dma.local [hbm:s3], $0xF7A  }
0x26: {  	[smem:$0x3F9F] =	sst s1;
	(tag) =	ssettag s2;
	_ =	strace s9  }
0x27: {  	s1 =	sld [smem:$0x3FAF]  }
0x28: {  	s2 =	sld [smem:$0x3FB0]  }
0x29: {  	s4 =	sld [smem:$0x3FB2]  }
0x2a: {  	p0 =	seq.s32 s5, $0x0;
	s5 =	sld [smem:$0x3FB3]  }
0x2b: {  	s6 =	sld [smem:$0x3FB4]  }
0x2c: {  	s7 =	sld [smem:$0x3FB5]  }
0x2d: {  	s3 =	simm.s32 $0x108;
	s8 =	sld [smem:$0x3FB6]  }
0x2e: {  	s3 =	simm.s32 @!p0 $0x1082;
	s9 =	sld [smem:$0x3FB7]  }
0x2f: {  	lr =	sadd.s32 s0, s3;
	s0 =	sld [smem:$0x3FAE]  }
0x30: {  	s3 =	sld [smem:$0x3FB1]  }
0x31: {  	[smem:$0x3FBA] =	sst s10  }
0x32: {  	s10 =	sld [smem:$0x3FB8];
	_ =	sdelay $0x3  }
0x33: {  	p0 =	seq.s32 s10, $0x1;
	s10 =	sld [smem:$0x3FBA];
	_ =	sdelay $0x3  }
0x34: {  	[smem:$0x3FBA] =	sst s10  }
0x35: {  	s10 =	sld [smem:$0x3FB9];
	_ =	sdelay $0x3  }
0x36: {  	p1 =	seq.s32 s10, $0x1;
	s10 =	sld [smem:$0x3FBA];
	_ =	sdelay $0x3  }
0x37: {  	[smem:$0x3FBA] =	sst s10  }
0x38: {  	s10 =	sld [smem:$0x3FBB]  }
0x39: {  	_ = 	snop;
	(pc) =	sbr.ind lr, $3  }
0x3a: {  	_ = 	snop  }
0x3b: {  	_ = 	snop  }
0x3c: {  	p2 =	seq.s32 s10, $0x1;
	s10 =	sld [smem:$0x3FBA]  }
0x3d: {  	_ =	shalt  }
0x3e: {  	_ =	shalt  }
0x3f: {  	_ =	shalt  }
0x40: {  	_ =	shalt  }
0x41: {  	_ =	shalt  }
0x42: {  	_ =	shalt  }
0x43: {  	_ =	shalt  }
0x44: {  	_ =	shalt  }
0x45: {  	_ =	shalt  }
0x46: {  	_ =	shalt  }
0x47: {  	_ =	shalt  }
0x48: {  	_ =	shalt  }
0x49: {  	_ =	shalt  }
0x4a: {  	_ =	shalt  }
0x4b: {  	_ =	shalt  }
0x4c: {  	_ =	shalt  }
0x4d: {  	_ =	shalt  }
0x4e: {  	_ =	shalt  }
0x4f: {  	_ =	shalt  }
0x50: {  	_ =	shalt  }
0x51: {  	_ =	shalt  }
0x52: {  	_ =	shalt  }
0x53: {  	_ =	shalt  }
0x54: {  	_ =	shalt  }
0x55: {  	_ =	shalt  }
0x56: {  	_ =	shalt  }
0x57: {  	_ =	shalt  }
0x58: {  	_ =	shalt  }
0x59: {  	_ =	shalt  }
0x5a: {  	_ =	shalt  }
0x5b: {  	_ =	shalt  }
0x5c: {  	_ =	shalt  }
0x5d: {  	_ =	shalt  }
0x5e: {  	_ =	shalt  }
0x5f: {  	_ =	shalt  }
0x60: {  	_ =	shalt  }
0x61: {  	_ =	shalt  }
0x62: {  	_ =	shalt  }
0x63: {  	_ =	shalt  }
0x64: {  	_ =	shalt  }
0x65: {  	_ =	shalt  }
0x66: {  	_ =	shalt  }
0x67: {  	_ =	shalt  }
0x68: {  	_ =	shalt  }
0x69: {  	_ =	shalt  }
0x6a: {  	_ =	shalt  }
0x6b: {  	_ =	shalt  }
0x6c: {  	_ =	shalt  }
0x6d: {  	_ =	shalt  }
0x6e: {  	_ =	shalt  }
0x6f: {  	_ =	shalt  }
0x70: {  	_ =	shalt  }
0x71: {  	_ =	shalt  }
0x72: {  	_ =	shalt  }
0x73: {  	_ =	shalt  }
0x74: {  	_ =	shalt  }
0x75: {  	_ =	shalt  }
0x76: {  	_ =	shalt  }
0x77: {  	_ =	shalt  }
0x78: {  	_ =	shalt  }
0x79: {  	_ =	shalt  }
0x7a: {  	_ =	shalt  }
0x7b: {  	_ =	shalt  }
0x7c: {  	_ =	shalt  }
0x7d: {  	_ =	shalt  }
0x7e: {  	_ =	shalt  }
0x7f: {  	_ =	shalt  }
0x80: {  	_ =	shalt  }
0x81: {  	_ =	shalt  }
0x82: {  	_ =	shalt  }
0x83: {  	_ =	shalt  }
0x84: {  	_ =	shalt  }
0x85: {  	_ =	shalt  }
0x86: {  	_ =	shalt  }
0x87: {  	_ =	shalt  }
.Lfunc_end0:
.L_simem_size_0:
called_computation_lowered:
.L_overlay_start_0:
0x88: {  	s2 =	sld [smem:$0x3FD9]  }
0x89: {  	s3 =	sld [smem:$0x3FFE];
	_ =	sdelay $0x1  }
0x8a: {  	s1 =	srdreg.scid  }
0x8b: {  	s0 =	sand.u32 $0x1, s1  }
0x8c: {  	s17 =	sshll.u32 s0, $0xA;
	s2 =	sadd.s32 s3, s2  }
0x8d: {  	s2 =	sadd.s32 s2, s17  }
0x8e: {  	[smem:$0x3FC6] =	sst s2  }
0x8f: {  	_ = 	snop  }
0x90: {  	s2 =	sld [smem:$0x3FC9]  }
0x91: {  	s18 =	sld [smem:$0x3FC8];
	(tm) =	ssettm $0x1  }
0x92: {  	s4 =	sld [smem:$0x3FFB];
	_ =	sdelay $0x3  }
0x93: {  	_ =	strace s4  }
0x94: {  	s4 =	sld [smem:$0x3FFC];
	_ =	sdelay $0x3  }
0x95: {  	_ =	strace s4  }
0x96: {  	s4 =	sld [smem:$0x3FFD];
	_ =	sdelay $0x3  }
0x97: {  	_ =	strace s4  }
0x98: {  	_ =	strace $0x8FFFFFFF  }
0x99: {  	s19 =	sld [smem:$0x3FDB];
	_ =	sdelay $0x1  }
0x9a: {  	s5 =	simm.s32 $_scs_section_size  }
0x9b: {  	s6 =	simm.s32 $_size__tile_overlayer_lowered;
	s7 =	simm.s32 $_tile_overlayer_lowered  }
0x9c: {  	s22 =	simm.s32 $0x1BFF;
	s21 =	sshll.u32 s7, $0x1;
	s4 =	sadd.s32 s5, s19  }
0x9d: {  	s8 =	simm.s32 $0x0;
	s20 =	sshll.u32 s6, $0x1;
	s6 =	sadd.s32 s21, s4  }
0x9e: {  	[timem:s8], [sflag:s22] =	dma.local [hbm:s6], s20  }
0x9f: {  	_ =	swait.ge [sflag:s22], s20  }
0xa0: {  	s5 =	ssub.s32 $0x0, s20;
	[sflag:s22] =	ssyncset.done $0x0  }
0xa1: {  	[sflag:s22] =	ssyncadd.s32 s5;
	_ =	sdelay $0x1  }
0xa2: {  	s23 =	simm.s32 $0x1B8B  }
0xa3: {  	_ =	swait.ge [sflag:s23], $0x1  }
0xa4: {  	[sflag:s23] =	ssyncset.done $0x0  }
0xa5: {  	s25 =	simm.s32 $0x1B8E;
	s24 =	sld [smem:$0x3FFE];
	[sflag:s23] =	ssyncadd.s32 $0xFFFFFFFF  }
0xa6: {  	s26 =	simm.s32 $execute0_lowered;
	[smem:$0x3FD2] =	sst s25  }
0xa7: {  	s6 =	sshll.u32 s26, $0x1;
	_ =	strace $0x80000046;
	[dreg:$0x1] =	wrdreg $0xFFFFFFFF  }
0xa8: {  	s28 =	simm.s32 $_size_execute0_lowered;
	s4 =	sadd.s32 s4, s6;
	[dreg:$0x0] =	wrdreg $0x0  }
0xa9: {  	s6 =	sshll.u32 s28, $0x1;
	[dreg:$0x2] =	wrdreg s4  }
0xaa: {  	[dreg:$0x3] =	wrdreg s6  }
0xab: {  	[dreg:$0x4] =	wrdreg $0xC0  }
0xac: {  	_ =	task [dreg:s8], $0x5FFFF  }
0xad: {  	[dreg:$0x1] =	wrdreg $0xFFFFFFFF  }
0xae: {  	[dreg:$0x0] =	wrdreg $0x60  }
0xaf: {  	[dreg:$0x2] =	wrdreg s2  }
0xb0: {  	[dreg:$0x3] =	wrdreg s18  }
0xb1: {  	[dreg:$0x4] =	wrdreg s24  }
0xb2: {  	[dreg:$0x5] =	wrdreg $0x9  }
0xb3: {  	_ =	task.clear_ibuf [dreg:s8], $0x6FFFF;
	_ =	strace $0x90000046  }
0xb4: {  	s29 =	simm.s32 $0x9;
	_ =	strace $0x80000048  }
0xb5: {  	_ =	swait.ge [sflag:s29], $0x1  }
0xb6: {  	[sflag:s29] =	ssyncadd.s32 $0xFFFFFFFF  }
0xb7: {  	_ =	strace $0x90000048  }
0xb8: {  	_ =	sfence  }
0xb9: {  	s30 =	sld [smem:$0x0];
	_ =	sdelay $0x2  }
0xba: {  	s31 =	sshll.u32 s1, $0xD;
	s1 =	sshrl.u32 s1, $0x2  }
0xbb: {  	s3 =	sand.u32 $0x4000, s31;
	s1 =	sadd.s32 s1, s30  }
0xbc: {  	s0 =	sor.u32 s3, s0;
	s1 =	sshll.u32 s1, $0x11  }
0xbd: {  	s0 =	sor.u32 s1, s0  }
0xbe: {  	s0 =	sadd.s32 $0x8F2B, s0  }
0xbf: {  	[sflag:s0] =	ssyncadd.remote.s32 $0x1  }
0xc0: {  	_ =	sfence.sel $0xFFFF  }
0xc1: {  	[dreg:$0x0] =	wrdreg $0xFFFFFFFF;
	(pc) =	sbr.abs _section_cstart, $3  }
0xc2: {  	[dreg:$0x1] =	wrdreg $0xFFFFFFFF  }
0xc3: {  	_ =	task.clear_ibuf [dreg:s8], $0x2FFFF;
	_ =	strace $0x9FFFFFFF  }
0xc4: {  	(tm) =	ssettm $0x7FFFFFFF  }
0xc5: {  	_ =	shalt  }
tec
execute0_lowered:
.L_overlay_start_1:
0x0: {  	(tag) =	ssettag $0x1  }
0x1: {  	s6 =	rddreg [dreg:$0x0]  }
0x2: {  	s1 =	rddreg [dreg:$0x1]  }
0x3: {  	s3 =	rddreg [dreg:$0x2]  }
0x4: {  	s0 =	rddreg [dreg:$0x3]  }
0x5: {  	s2 =	simm.s32 $0x0;
	s4 =	srdreg.scid;
	s9 =	simm.s32 $0x4000  }
0x6: {  	s10 =	simm.s32 $0x0;
	[smem:$0x7FF] =	sst s2;
	s5 =	sand.u32 $0x1, s4  }
0x7: {  	s4 =	sadd.s32 $0x400, s3;
	s3 =	stileid.u32;
	s7 =	ssub.s32 $0x2, s5  }
0x8: {  	s6 =	sadd.s32 $0x300000, s6;
	_ =	strace $0x80000047;
	s8 =	sshrl.u32 s7, $0x1  }
0x9: {  	s31 =	sshll.u32 s3, $0x10;
	s5 =	sshll.u32 s5, $0xF;
	s7 =	ssub.s32 s7, s8  }
0xa: {  	s5 =	sor.u32 s5, s31;
	s8 =	simm.s32 $0x1;
	s7 =	smax.u32 s7, $0x1  }
.LBB2_1:
0xb: {  	s11 =	simm.s32 $0x0  }
.LBB2_2:
0xc: {  	s12 =	sshll.u32 s11, $0xB  }
0xd: {  	s12 =	sadd.s32 s5, s12  }
0xe: {  	s13 =	simm.s32 $0x0;
	s14 =	sadd.s32 s12, s6  }
0xf: {  	[tilespmem:s13], [sflag:$0x1] =	stream.linear.gather [hbm4b:s14+s13], $0x4000, $0x38;
	[tilespmem:$0x8000] =	vst v63  }
0x10: {  	_ =	swait.ge [sflag:s8], $0x4000  }
0x11: {  	[sflag:s8] =	ssyncset.done $0x0  }
0x12: {  	s15 =	simm.s32 $0x0;
	s29 =	sadd.s32 s1, s12;
	[sflag:s8] =	ssyncadd.s32 $0xFFFFC000  }
0x13: {  	[tilespmem:s9], [sflag:$0x1] =	stream.linear.gather [hbm4b:s29+s13], $0x4000, $0x38;
	[tilespmem:$0x8000] =	vst v63  }
0x14: {  	s30 =	sand.u32 $0x2000, s15;
	s16 =	sand.u32 $0x1C00, s13;
	_ =	swait.ge [sflag:s8], $0x4000  }
0x15: {  	s31 =	sand.u32 $0x380, s13;
	s14 =	sor.u32 s30, s16;
	[sflag:s8] =	ssyncset.done $0x0  }
0x16: {  	s14 =	sor.u32 s31, s14;
	[sflag:s8] =	ssyncadd.s32 $0xFFFFC000  }
0x17: {  	v0 =	vld [tilespmem:s14+$0x70]  }
0x18: {  	v1 =	vld [tilespmem:s14+$0x4070]  }
0x19: {  	v3 =	vld [tilespmem:s14+$0x0]  }
0x1a: {  	v4 =	vld [tilespmem:s14+$0x4000]  }
0x1b: {  	v6 =	vld [tilespmem:s14+$0x10]  }
0x1c: {  	v7 =	vld [tilespmem:s14+$0x4010]  }
0x1d: {  	v2 =	vld [tilespmem:s14+$0x20]  }
0x1e: {  	v5 =	vld [tilespmem:s14+$0x4020]  }
0x1f: {  	v1 =	vadd.f32 v1, v0;
	v0 =	vld [tilespmem:s14+$0x30]  }
0x20: {  	v4 =	vadd.f32 v4, v3;
	v3 =	vld [tilespmem:s14+$0x4030]  }
0x21: {  	v6 =	vadd.f32 v7, v6;
	[tilespmem:s14+$0x70] =	vst v1;
	v1 =	vld [tilespmem:s14+$0x40]  }
0x22: {  	s16 =	simm.s32 $0x0;
	[tilespmem:s14+$0x0] =	vst v4;
	v4 =	vld [tilespmem:s14+$0x4040]  }
.LBB2_3:
0x23: {  	s15 =	sadd.s32 $0x80, s15;
	[tilespmem:s14+$0x10] =	vst v6;
	v2 =	vadd.f32 v5, v2;
	v5 =	vld [tilespmem:s14+$0x50];
	s13 =	sadd.s32 $0x400, s13  }
0x24: {  	s16 =	sadd.s32 $0x10, s16;
	s17 =	sand.u32 $0x2000, s15;
	s18 =	sand.u32 $0x1C00, s13;
	v6 =	vld [tilespmem:s14+$0x4050]  }
0x25: {  	p0 =	slt.u32 s15, $0x3F80;
	s17 =	sor.u32 s17, s18;
	s18 =	sand.u32 $0x380, s16;
	[tilespmem:s14+$0x20] =	vst v2;
	v0 =	vadd.f32 v3, v0;
	v2 =	vld [tilespmem:s14+$0x60]  }
0x26: {  	s17 =	sor.u32 s18, s17;
	v3 =	vld [tilespmem:s14+$0x4060]  }
0x27: {  	v7 =	vld [tilespmem:s17+$0x70];
	[tilespmem:s14+$0x30] =	vst v0;
	v0 =	vadd.f32 v4, v1  }
0x28: {  	v1 =	vld [tilespmem:s17+$0x4070]  }
0x29: {  	v4 =	vld [tilespmem:s17+$0x0];
	[tilespmem:s14+$0x40] =	vst v0;
	v0 =	vadd.f32 v6, v5  }
0x2a: {  	v6 =	vld [tilespmem:s17+$0x4000]  }
0x2b: {  	v8 =	vld [tilespmem:s17+$0x10];
	[tilespmem:s14+$0x50] =	vst v0;
	v0 =	vadd.f32 v3, v2  }
0x2c: {  	v9 =	vld [tilespmem:s17+$0x4010]  }
0x2d: {  	v2 =	vld [tilespmem:s17+$0x20];
	v1 =	vadd.f32 v1, v7;
	[tilespmem:s14+$0x60] =	vst v0;
	s14 =	smov.u32 s17  }
.Ltmp0:
0x2e: {  	v5 =	vld [tilespmem:s14+$0x4020];
	(pc) =	sbr.rel @p0 .LBB2_3-.Ltmp0, $4  }
0x2f: {  	v4 =	vadd.f32 v6, v4;
	v0 =	vld [tilespmem:s14+$0x30];
	[tilespmem:s14+$0x70] =	vst v1  }
0x30: {  	v3 =	vld [tilespmem:s14+$0x4030]  }
0x31: {  	[tilespmem:s14+$0x0] =	vst v4;
	v6 =	vadd.f32 v9, v8;
	v1 =	vld [tilespmem:s14+$0x40]  }
0x32: {  	v4 =	vld [tilespmem:s14+$0x4040]  }
0x33: {  	v7 =	vld [tilespmem:s14+$0x50]  }
0x34: {  	v8 =	vld [tilespmem:s14+$0x4050]  }
0x35: {  	v9 =	vld [tilespmem:s14+$0x60]  }
0x36: {  	v10 =	vld [tilespmem:s14+$0x4060]  }
0x37: {  	v2 =	vadd.f32 v5, v2  }
0x38: {  	[tilespmem:s14+$0x10] =	vst v6;
	v0 =	vadd.f32 v3, v0  }
0x39: {  	[tilespmem:s14+$0x20] =	vst v2;
	v1 =	vadd.f32 v4, v1  }
0x3a: {  	[tilespmem:s14+$0x30] =	vst v0;
	v62 =	vadd.f32 v8, v7  }
0x3b: {  	s11 =	sadd.s32 $0x1, s11;
	v63 =	vadd.f32 v10, v9;
	[tilespmem:s14+$0x40] =	vst v1  }
0x3c: {  	p0 =	sne.s32 s11, $0x10;
	[tilespmem:s14+$0x50] =	vst v62  }
.Ltmp1:
0x3d: {  	s12 =	sadd.s32 s4, s12;
	[tilespmem:s14+$0x60] =	vst v63;
	(pc) =	sbr.rel @p0 .LBB2_2-.Ltmp1, $4  }
0x3e: {  	[hbm4b:s12+s2] =	stream.linear.scatter [tilespmem:s2], [sflag:$0x1], $0x4000, $0x38;
	[tilespmem:$0x8000] =	vst v63  }
0x3f: {  	_ =	swait.ge [sflag:s8], $0x4000  }
0x40: {  	[sflag:s8] =	ssyncset.done $0x0  }
0x41: {  	[sflag:s8] =	ssyncadd.s32 $0xFFFFC000  }
0x42: {  	s10 =	sadd.s32 $0x1, s10  }
0x43: {  	p0 =	sne.s32 s10, s7  }
.Ltmp2:
0x44: {  	_ = 	snop;
	(pc) =	sbr.rel @p0 .LBB2_1-.Ltmp2, $1  }
0x45: {  	_ =	sdelay $0x3  }
0x46: {  	_ =	sfence.sel $0x180000  }
0x47: {  	[bflag:$0x0] =	sbarrier.arrive $0xFFFF  }
0x48: {  	p0 =	sne.s32 s3, $0x0;
	_ =	strace $0x90000047  }
0x49: {  	s0 =	sadd.s32 @!p0 $0x100000, s0;
	[bflag:$0x2] =	sbarrier.arrive $0xFFFF  }
0x4a: {  	[sflag:s0] =	ssyncadd.tile.s32 @!p0 $0x1;
	_ =	shalt  }
.Lfunc_end2:
_tile_overlayer_lowered:
.L_overlay_start_2:
0x4b: {  	(tag) =	ssettag $0x2  }
0x4c: {  	s0 =	rddreg [dreg:$0x0];
	s2 =	stileid.u32  }
0x4d: {  	s1 =	rddreg [dreg:$0x1];
	p0 =	sne.s32 s2, $0x0  }
0x4e: {  	s3 =	rddreg [dreg:$0x2];
	[bflag:$0x3] =	sbarrier.arrive $0xFFFF;
	s2 =	simm.s32 @!p0 $0x1C01  }
0x4f: {  	[timem:s3], [sflag:s2] =	dma.local @!p0 [hbm:s0], s1  }
0x50: {  	s0 =	simm.s32 @!p0 $0x1  }
0x51: {  	_ =	swait.ge @!p0 [sflag:s0], s1  }
0x52: {  	s1 =	ssub.s32 @!p0 $0x0, s1;
	[sflag:s0] =	ssyncset.done @!p0 $0x0  }
0x53: {  	[sflag:s0] =	ssyncadd.s32 @!p0 s1  }
0x54: {  	[bflag:$0x3] =	sbarrier.arrive $0xFFFF  }
0x55: {  	_ =	shalt  }

</sc_bundles>
